<compile_context>
chip_gen: v7x
topology: tpu7x:2x2x1
jax: 0.10.2.dev20260603
libtpu: 0.0.44.dev20260713+nightly
codegen_flags: <defaults>
</compile_context>

<pallas_src>
import functools

import jax
import jax.numpy as jnp
from jax import lax
from jax.experimental import pallas as pl
from jax.experimental.pallas import tpu as pltpu
from jax.experimental.pallas import tpu_sc as plsc

VOCAB = 128
MM_HIDDEN = 2048
TXT_HIDDEN = 2048
EPS = 1e-6

NC, NS = 2, 16
NW = NC * NS
TOKENS = 4 * 2048
SC_TOKENS = 512
TC_TOKENS = TOKENS - SC_TOKENS
TC_BLK = 1920
MERGE_BLK = 512
CHUNK = 16
NBUF = 2


KBLK = 512
NKB = MM_HIDDEN // KBLK


def _lut_body(table_ref, w_ref, proj_ref, out_ref, acc_ref):
    k = pl.program_id(0)
    sl = pl.ds(k * KBLK, KBLK)
    x = table_ref[...]
    var = jnp.mean(x * x, axis=-1, keepdims=True)
    scale = lax.rsqrt(var + EPS)
    xk = table_ref[:, sl] * scale * (1.0 + w_ref[0, sl])
    part = lax.dot_general(
        xk, proj_ref[...],
        dimension_numbers=(((1,), (1,)), ((), ())),
        preferred_element_type=jnp.float32,
    )

    @pl.when(k == 0)
    def _init():
        acc_ref[...] = part

    @pl.when(k > 0)
    def _accum():
        acc_ref[...] += part

    @pl.when(k == NKB - 1)
    def _finish():
        y = acc_ref[...]
        var2 = jnp.mean(y * y, axis=-1, keepdims=True)
        out_ref[...] = y * lax.rsqrt(var2 + EPS)


def _compute_lut(embedding_table, hard_norm_weight, proj_weight):
    return pl.pallas_call(
        _lut_body,
        grid=(NKB,),
        in_specs=[
            pl.BlockSpec((VOCAB, MM_HIDDEN), lambda k: (0, 0)),
            pl.BlockSpec((1, MM_HIDDEN), lambda k: (0, 0)),
            pl.BlockSpec((TXT_HIDDEN, KBLK), lambda k: (0, k)),
        ],
        out_specs=pl.BlockSpec((VOCAB, TXT_HIDDEN), lambda k: (0, 0)),
        out_shape=jax.ShapeDtypeStruct((VOCAB, TXT_HIDDEN), jnp.float32),
        scratch_shapes=[pltpu.VMEM((VOCAB, TXT_HIDDEN), jnp.float32)],
    )(embedding_table, hard_norm_weight.reshape(1, MM_HIDDEN), proj_weight)


def _tc_gather_body(ids_ref, lut_ref, out_ref):
    ids_col = ids_ref[0].reshape(TC_BLK, 1)
    vocab_iota = lax.broadcasted_iota(jnp.int32, (TC_BLK, VOCAB), 1)
    onehot = (ids_col == vocab_iota).astype(jnp.float32)
    out_ref[...] = lax.dot_general(
        onehot, lut_ref[...],
        dimension_numbers=(((1,), (0,)), ((), ())),
        preferred_element_type=jnp.float32,
    )


def _tc_gather_full(lut, ids):
    nblk = TC_TOKENS // TC_BLK
    return pl.pallas_call(
        _tc_gather_body,
        grid=(nblk,),
        in_specs=[
            pl.BlockSpec((1, 1, TC_BLK), lambda i: (i, 0, 0)),
            pl.BlockSpec((VOCAB, TXT_HIDDEN), lambda i: (0, 0)),
        ],
        out_specs=pl.BlockSpec((TC_BLK, TXT_HIDDEN), lambda i: (i, 0)),
        out_shape=jax.ShapeDtypeStruct((TOKENS, TXT_HIDDEN), jnp.float32),
    )(ids.reshape(nblk, 1, TC_BLK), lut)


def _merge_body(tc_ref, sc_ref, out_ref):
    del tc_ref
    out_ref[...] = sc_ref[...]


def _merge(tc_full, sc_out):
    nblk = SC_TOKENS // MERGE_BLK
    tc_blocks = TC_TOKENS // MERGE_BLK
    return pl.pallas_call(
        _merge_body,
        grid=(nblk,),
        in_specs=[
            pl.BlockSpec(memory_space=pl.ANY),
            pl.BlockSpec((MERGE_BLK, TXT_HIDDEN), lambda i: (i, 0)),
        ],
        out_specs=pl.BlockSpec((MERGE_BLK, TXT_HIDDEN),
                               lambda i: (tc_blocks + i, 0)),
        out_shape=jax.ShapeDtypeStruct((TOKENS, TXT_HIDDEN), jnp.float32),
        input_output_aliases={0: 0},
    )(tc_full, sc_out)


def _sc_gather_body(nchunk, b_per_w, lut_hbm, ids_hbm, out_hbm,
                    idx_v, rows_v, gsem, wsem):
    wid = lax.axis_index("s") * NC + lax.axis_index("c")
    base = wid * b_per_w
    pltpu.sync_copy(ids_hbm.at[wid], idx_v)

    def gather(c):
        return pltpu.async_copy(
            lut_hbm.at[idx_v.at[c]], rows_v.at[c % NBUF], gsem)

    gh = [None] * nchunk
    wh = [None] * nchunk
    gh[0] = gather(0)
    for c in range(nchunk):
        gh[c].wait()
        wh[c] = pltpu.async_copy(
            rows_v.at[c % NBUF], out_hbm.at[pl.ds(base + c * CHUNK, CHUNK)],
            wsem)
        if c + 1 < nchunk:
            if c + 1 >= NBUF:
                wh[c + 1 - NBUF].wait()
            gh[c + 1] = gather(c + 1)
    for c in range(max(0, nchunk - NBUF), nchunk):
        wh[c].wait()


@functools.lru_cache(maxsize=2)
def _build_sc_gather(sc_tokens):
    b_per_w = sc_tokens // NW
    nchunk = b_per_w // CHUNK
    return pl.kernel(
        functools.partial(_sc_gather_body, nchunk, b_per_w),
        out_type=jax.ShapeDtypeStruct((sc_tokens, TXT_HIDDEN), jnp.float32),
        mesh=plsc.VectorSubcoreMesh(core_axis_name="c", subcore_axis_name="s"),
        scratch_types=[
            pltpu.VMEM((nchunk, CHUNK), jnp.int32),
            pltpu.VMEM((NBUF, CHUNK, TXT_HIDDEN), jnp.float32),
            pltpu.SemaphoreType.DMA,
            pltpu.SemaphoreType.DMA,
        ],
    )


def kernel(input_ids, embedding_table, hard_norm_weight, proj_weight):
    lut = _compute_lut(embedding_table, hard_norm_weight, proj_weight)
    flat = input_ids.reshape(-1)
    sc_ids = flat[TC_TOKENS:].reshape(NW, SC_TOKENS // NW // CHUNK, CHUNK)
    sc_out = _build_sc_gather(SC_TOKENS)(lut, sc_ids)
    tc_full = _tc_gather_full(lut, flat[:TC_TOKENS])
    out = _merge(tc_full, sc_out)
    return out.reshape(input_ids.shape[0], input_ids.shape[1], TXT_HIDDEN)

# --- scband reference (transcript-rebuilt; emitter-appended) ---
"""Pipeline reference for scband-gemma3n-multimodal-embedder-39719857553459 (READ-ONLY COPY).

The authoritative reference and input builder live on the scoring server;
editing this copy changes nothing except your own understanding.
"""

import jax, jax.numpy as jnp
import numpy as np

VOCAB_SIZE = 128
MM_HIDDEN = 2048
TXT_HIDDEN = 2048
EPS = 1e-6
BATCH, SEQ = 4, 2048


def _rms_norm(x, eps=EPS):
    var = jnp.mean(jnp.square(x.astype(jnp.float32)), axis=-1, keepdims=True)
    return (x * jax.lax.rsqrt(var + eps)).astype(x.dtype)


def setup_inputs(seed: int = 0) -> dict:
    key = jax.random.key(seed)
    k1, k2, k3, k4 = jax.random.split(key, 4)
    input_ids = jax.random.randint(k1, (BATCH, SEQ), 0, VOCAB_SIZE, dtype=jnp.int32)
    embedding_table = jax.random.normal(k2, (VOCAB_SIZE, MM_HIDDEN), dtype=jnp.float32) * 0.02
    hard_norm_weight = jax.random.normal(k3, (MM_HIDDEN,), dtype=jnp.float32) * 0.02
    proj_weight = jax.random.normal(k4, (TXT_HIDDEN, MM_HIDDEN), dtype=jnp.float32) * 0.02
    return {
        "input_ids": input_ids,
        "embedding_table": embedding_table,
        "hard_norm_weight": hard_norm_weight,
        "proj_weight": proj_weight,
    }


def reference(input_ids, embedding_table, hard_norm_weight, proj_weight):
    # hard-token path: embedding lookup (vocab_offset = 0 so ids are already in-range)
    hard_emb = jnp.take(embedding_table, input_ids, axis=0)  # [B, S, MM_HIDDEN]
    # Gemma-style RMSNorm with (1 + weight) scaling
    emb_norm = _rms_norm(hard_emb) * (1.0 + hard_norm_weight)
    # RowParallelLinear, no bias: y = x @ W^T
    emb_norm_proj = jnp.einsum("bsd,td->bst", emb_norm, proj_weight)  # [B, S, TXT_HIDDEN]
    # post-projection RMSNorm has no learned weight
    return _rms_norm(emb_norm_proj)

if __name__ == "__main__":
    import jax
    _d = setup_inputs()
    print(jax.jit(kernel)(*tuple(_d.values())))

</pallas_src>

<mosaic_0001>
#map = affine_map<(d0, d1) -> (0, 0)>
#map1 = affine_map<(d0, d1) -> (0, 0, 0)>
module attributes {stable_mosaic.version = 14 : i64} {
  func.func @_sc_gather_body(%arg0: i32, %arg1: i32, %arg2: memref<128x2048xf32, #tpu.memory_space<hbm>>, %arg3: memref<32x1x16xi32, #tpu.memory_space<hbm>>, %arg4: memref<512x2048xf32, #tpu.memory_space<hbm>>, %arg5: memref<1x16xi32, #tpu.memory_space<vmem>>, %arg6: memref<2x16x2048xf32, #tpu.memory_space<vmem>>, %arg7: memref<!tpu.dma_semaphore, #tpu.memory_space<semaphore_mem>>, %arg8: memref<!tpu.dma_semaphore, #tpu.memory_space<semaphore_mem>>) attributes {dimension_semantics = [#tpu.dimension_semantics<core_parallel>, #tpu.dimension_semantics<subcore_parallel>], iteration_bounds = array<i64: 2, 16>, scalar_prefetch = 0 : i64, scratch_operands = 4 : i64, tpu.core_type = #tpu.core_type<sc_vector_subcore>, window_params = [{transform_indices = #map}, {transform_indices = #map1}, {transform_indices = #map}]} {
    %mul3A = arith.constant 2 : i32
    %mul3A_0 = arith.muli %arg1, %mul3A : i32
    %add3A = arith.addi %mul3A_0, %arg0 : i32
    %mul3A_1 = arith.constant 16 : i32
    %mul3A_2 = arith.muli %add3A, %mul3A_1 : i32
    "tpu.region"() ({
      %run_scoped3A = tpu.sem_alloc : memref<!tpu.dma_semaphore, #tpu.memory_space<semaphore_mem>>
      %dma_start3A_53 = arith.constant 0 : i32
      %dma_start3A_54 = arith.constant 0 : i32
      %dma_start3A_55 = tpu.memref_slice %arg3[%add3A, %dma_start3A_53, %dma_start3A_54] : memref<32x1x16xi32, #tpu.memory_space<hbm>> -> memref<1x1x16xi32, #tpu.memory_space<hbm>>
      %dma_start3A_56 = tpu.memref_squeeze %dma_start3A_55 : memref<1x1x16xi32, #tpu.memory_space<hbm>> -> memref<1x16xi32, #tpu.memory_space<hbm>>
      %dma_start3A_57 = arith.constant 0 : i32
      %dma_start3A_58 = arith.constant 0 : i32
      %dma_start3A_59 = tpu.memref_slice %arg3[%add3A, %dma_start3A_57, %dma_start3A_58] : memref<32x1x16xi32, #tpu.memory_space<hbm>> -> memref<1x1x16xi32, #tpu.memory_space<hbm>>
      %dma_start3A_60 = tpu.memref_squeeze %dma_start3A_59 : memref<1x1x16xi32, #tpu.memory_space<hbm>> -> memref<1x16xi32, #tpu.memory_space<hbm>>
      tpu.enqueue_dma source(%dma_start3A_60 : memref<1x16xi32, #tpu.memory_space<hbm>>) target(%arg5 : memref<1x16xi32, #tpu.memory_space<vmem>>) target_semaphore(%run_scoped3A : memref<!tpu.dma_semaphore, #tpu.memory_space<semaphore_mem>>)
      %dma_wait3A_61 = arith.constant 0 : i32
      %dma_wait3A_62 = arith.constant 0 : i32
      %dma_wait3A_63 = tpu.memref_slice %arg3[%add3A, %dma_wait3A_61, %dma_wait3A_62] : memref<32x1x16xi32, #tpu.memory_space<hbm>> -> memref<1x1x16xi32, #tpu.memory_space<hbm>>
      %dma_wait3A_64 = tpu.memref_squeeze %dma_wait3A_63 : memref<1x1x16xi32, #tpu.memory_space<hbm>> -> memref<1x16xi32, #tpu.memory_space<hbm>>
      %dma_wait3A_65 = arith.constant 0 : i32
      %dma_wait3A_66 = arith.constant 0 : i32
      %dma_wait3A_67 = tpu.memref_slice %arg3[%add3A, %dma_wait3A_65, %dma_wait3A_66] : memref<32x1x16xi32, #tpu.memory_space<hbm>> -> memref<1x1x16xi32, #tpu.memory_space<hbm>>
      %dma_wait3A_68 = tpu.memref_squeeze %dma_wait3A_67 : memref<1x1x16xi32, #tpu.memory_space<hbm>> -> memref<1x16xi32, #tpu.memory_space<hbm>>
      tpu.wait_dma2 semaphore(%run_scoped3A : memref<!tpu.dma_semaphore, #tpu.memory_space<semaphore_mem>>) src(%dma_wait3A_68 : memref<1x16xi32, #tpu.memory_space<hbm>>) dst(%arg5 : memref<1x16xi32, #tpu.memory_space<vmem>>)
      tpu.yield
    }) : () -> ()
    %dma_start3A = arith.constant 0 : i32
    %dma_start3A_3 = arith.constant 0 : i32
    %dma_start3A_4 = arith.constant 0 : i32
    %dma_start3A_5 = arith.constant 0 : i32
    %dma_start3A_6 = tpu.memref_slice %arg6[%dma_start3A_3, %dma_start3A_4, %dma_start3A_5] : memref<2x16x2048xf32, #tpu.memory_space<vmem>> -> memref<1x16x2048xf32, #tpu.memory_space<vmem>>
    %dma_start3A_7 = tpu.memref_squeeze %dma_start3A_6 : memref<1x16x2048xf32, #tpu.memory_space<vmem>> -> memref<16x2048xf32, #tpu.memory_space<vmem>>
    %dma_start3A_8 = arith.constant 0 : i32
    %dma_start3A_9 = tpu.memref_slice %arg5[%dma_start3A, %dma_start3A_8] : memref<1x16xi32, #tpu.memory_space<vmem>> -> memref<1x16xi32, #tpu.memory_space<vmem>>
    %dma_start3A_10 = tpu.memref_squeeze %dma_start3A_9 : memref<1x16xi32, #tpu.memory_space<vmem>> -> memref<16xi32, #tpu.memory_space<vmem>>
    %dma_start3A_11 = arith.constant 0 : i32
    %dma_start3A_12 = arith.constant 0 : i32
    %dma_start3A_13 = tpu.memref_slice %arg2[%dma_start3A_11, %dma_start3A_12] : memref<128x2048xf32, #tpu.memory_space<hbm>> -> memref<128x2048xf32, #tpu.memory_space<hbm>>
    tpu.enqueue_indirect_dma source(%dma_start3A_13 : memref<128x2048xf32, #tpu.memory_space<hbm>>) target(%dma_start3A_7 : memref<16x2048xf32, #tpu.memory_space<vmem>>) offsets(%dma_start3A_10 : memref<16xi32, #tpu.memory_space<vmem>>) semaphore(%arg7 : memref<!tpu.dma_semaphore, #tpu.memory_space<semaphore_mem>>)
    %dma_wait3A = arith.constant 0 : i32
    %dma_wait3A_14 = arith.constant 0 : i32
    %dma_wait3A_15 = arith.constant 0 : i32
    %dma_wait3A_16 = arith.constant 0 : i32
    %dma_wait3A_17 = tpu.memref_slice %arg6[%dma_wait3A_14, %dma_wait3A_15, %dma_wait3A_16] : memref<2x16x2048xf32, #tpu.memory_space<vmem>> -> memref<1x16x2048xf32, #tpu.memory_space<vmem>>
    %dma_wait3A_18 = tpu.memref_squeeze %dma_wait3A_17 : memref<1x16x2048xf32, #tpu.memory_space<vmem>> -> memref<16x2048xf32, #tpu.memory_space<vmem>>
    %dma_wait3A_19 = arith.constant 0 : i32
    %dma_wait3A_20 = tpu.memref_slice %arg5[%dma_wait3A, %dma_wait3A_19] : memref<1x16xi32, #tpu.memory_space<vmem>> -> memref<1x16xi32, #tpu.memory_space<vmem>>
    %dma_wait3A_21 = tpu.memref_squeeze %dma_wait3A_20 : memref<1x16xi32, #tpu.memory_space<vmem>> -> memref<16xi32, #tpu.memory_space<vmem>>
    %dma_wait3A_22 = arith.constant 0 : i32
    %dma_wait3A_23 = arith.constant 0 : i32
    %dma_wait3A_24 = tpu.memref_slice %arg2[%dma_wait3A_22, %dma_wait3A_23] : memref<128x2048xf32, #tpu.memory_space<hbm>> -> memref<128x2048xf32, #tpu.memory_space<hbm>>
    tpu.wait_indirect_dma semaphore(%arg7 : memref<!tpu.dma_semaphore, #tpu.memory_space<semaphore_mem>>) src(%dma_wait3A_24 : memref<128x2048xf32, #tpu.memory_space<hbm>>) dst(%dma_wait3A_18 : memref<16x2048xf32, #tpu.memory_space<vmem>>)
    %add3A_25 = arith.constant 0 : i32
    %add3A_26 = arith.addi %mul3A_2, %add3A_25 : i32
    %dma_start3A_27 = arith.constant 0 : i32
    %dma_start3A_28 = arith.constant 0 : i32
    %dma_start3A_29 = arith.constant 0 : i32
    %dma_start3A_30 = tpu.memref_slice %arg6[%dma_start3A_27, %dma_start3A_28, %dma_start3A_29] : memref<2x16x2048xf32, #tpu.memory_space<vmem>> -> memref<1x16x2048xf32, #tpu.memory_space<vmem>>
    %dma_start3A_31 = tpu.memref_squeeze %dma_start3A_30 : memref<1x16x2048xf32, #tpu.memory_space<vmem>> -> memref<16x2048xf32, #tpu.memory_space<vmem>>
    %dma_start3A_32 = arith.constant 0 : i32
    %dma_start3A_33 = tpu.memref_slice %arg4[%add3A_26, %dma_start3A_32] : memref<512x2048xf32, #tpu.memory_space<hbm>> -> memref<16x2048xf32, #tpu.memory_space<hbm>>
    %dma_start3A_34 = arith.constant 0 : i32
    %dma_start3A_35 = tpu.memref_slice %arg4[%add3A_26, %dma_start3A_34] : memref<512x2048xf32, #tpu.memory_space<hbm>> -> memref<16x2048xf32, #tpu.memory_space<hbm>>
    %dma_start3A_36 = arith.constant 0 : i32
    %dma_start3A_37 = arith.constant 0 : i32
    %dma_start3A_38 = tpu.memref_slice %arg6[%dma_start3A_27, %dma_start3A_36, %dma_start3A_37] : memref<2x16x2048xf32, #tpu.memory_space<vmem>> -> memref<1x16x2048xf32, #tpu.memory_space<vmem>>
    %dma_start3A_39 = tpu.memref_squeeze %dma_start3A_38 : memref<1x16x2048xf32, #tpu.memory_space<vmem>> -> memref<16x2048xf32, #tpu.memory_space<vmem>>
    tpu.enqueue_dma source(%dma_start3A_39 : memref<16x2048xf32, #tpu.memory_space<vmem>>) target(%dma_start3A_35 : memref<16x2048xf32, #tpu.memory_space<hbm>>) target_semaphore(%arg8 : memref<!tpu.dma_semaphore, #tpu.memory_space<semaphore_mem>>)
    %dma_wait3A_40 = arith.constant 0 : i32
    %dma_wait3A_41 = arith.constant 0 : i32
    %dma_wait3A_42 = arith.constant 0 : i32
    %dma_wait3A_43 = tpu.memref_slice %arg6[%dma_wait3A_40, %dma_wait3A_41, %dma_wait3A_42] : memref<2x16x2048xf32, #tpu.memory_space<vmem>> -> memref<1x16x2048xf32, #tpu.memory_space<vmem>>
    %dma_wait3A_44 = tpu.memref_squeeze %dma_wait3A_43 : memref<1x16x2048xf32, #tpu.memory_space<vmem>> -> memref<16x2048xf32, #tpu.memory_space<vmem>>
    %dma_wait3A_45 = arith.constant 0 : i32
    %dma_wait3A_46 = tpu.memref_slice %arg4[%add3A_26, %dma_wait3A_45] : memref<512x2048xf32, #tpu.memory_space<hbm>> -> memref<16x2048xf32, #tpu.memory_space<hbm>>
    %dma_wait3A_47 = arith.constant 0 : i32
    %dma_wait3A_48 = tpu.memref_slice %arg4[%add3A_26, %dma_wait3A_47] : memref<512x2048xf32, #tpu.memory_space<hbm>> -> memref<16x2048xf32, #tpu.memory_space<hbm>>
    %dma_wait3A_49 = arith.constant 0 : i32
    %dma_wait3A_50 = arith.constant 0 : i32
    %dma_wait3A_51 = tpu.memref_slice %arg6[%dma_wait3A_40, %dma_wait3A_49, %dma_wait3A_50] : memref<2x16x2048xf32, #tpu.memory_space<vmem>> -> memref<1x16x2048xf32, #tpu.memory_space<vmem>>
    %dma_wait3A_52 = tpu.memref_squeeze %dma_wait3A_51 : memref<1x16x2048xf32, #tpu.memory_space<vmem>> -> memref<16x2048xf32, #tpu.memory_space<vmem>>
    tpu.wait_dma2 semaphore(%arg8 : memref<!tpu.dma_semaphore, #tpu.memory_space<semaphore_mem>>) src(%dma_wait3A_52 : memref<16x2048xf32, #tpu.memory_space<vmem>>) dst(%dma_wait3A_48 : memref<16x2048xf32, #tpu.memory_space<hbm>>)
    return
  }
}

module attributes {stable_mosaic.version = 14 : i64} {
  func.func @_lut_body(%arg0: i32, %arg1: memref<128x2048xf32, #tpu.memory_space<vmem>>, %arg2: memref<1x2048xf32, #tpu.memory_space<vmem>>, %arg3: memref<2048x512xf32, #tpu.memory_space<vmem>>, %arg4: memref<128x2048xf32, #tpu.memory_space<vmem>>, %arg5: memref<128x2048xf32, #tpu.memory_space<vmem>>) attributes {dimension_semantics = [#tpu.dimension_semantics<arbitrary>], iteration_bounds = array<i64: 4>, scalar_prefetch = 0 : i64, scratch_operands = 1 : i64, tpu.core_type = #tpu.core_type<tc>, window_params = [{pipeline_mode = #tpu.pipeline_mode<synchronous>, transform_indices = @transform_0, window_bounds = array<i64: 128, 2048>}, {pipeline_mode = #tpu.pipeline_mode<synchronous>, transform_indices = @transform_1, window_bounds = array<i64: 1, 2048>}, {transform_indices = @transform_2, window_bounds = array<i64: 2048, 512>}, {pipeline_mode = #tpu.pipeline_mode<synchronous>, transform_indices = @transform_3, window_bounds = array<i64: 128, 2048>}]} {
    %mul3A = arith.constant 512 : i32
    %mul3A_0 = arith.muli %arg0, %mul3A : i32
    %get3A = arith.constant 0 : index
    %get3A_1 = arith.constant 0 : index
    %get3A_2 = vector.load %arg1[%get3A, %get3A_1] : memref<128x2048xf32, #tpu.memory_space<vmem>>, vector<128x2048xf32>
    %mul3A_3 = arith.mulf %get3A_2, %get3A_2 : vector<128x2048xf32>
    %reduce_sum3A = arith.constant dense<0.000000e+00> : vector<128xf32>
    %reduce_sum3A_4 = vector.multi_reduction <add>, %mul3A_3, %reduce_sum3A [1] : vector<128x2048xf32> to vector<128xf32>
    %broadcast_in_dim3A = vector.shape_cast %reduce_sum3A_4 : vector<128xf32> to vector<128x1xf32>
    %div3A = arith.constant 2.048000e+03 : f32
    %div3A_5 = vector.broadcast %div3A : f32 to vector<128x1xf32>
    %div3A_6 = arith.divf %broadcast_in_dim3A, %div3A_5 : vector<128x1xf32>
    %add3A = arith.constant 9.99999997E-7 : f32
    %add3A_7 = vector.broadcast %add3A : f32 to vector<128x1xf32>
    %add3A_8 = arith.addf %div3A_6, %add3A_7 : vector<128x1xf32>
    %rsqrt3A = math.rsqrt %add3A_8 : vector<128x1xf32>
    %get3A_9 = arith.constant 0 : index
    %get3A_10 = arith.index_cast %mul3A_0 : i32 to index
    %get3A_11 = vector.load %arg1[%get3A_9, %get3A_10] : memref<128x2048xf32, #tpu.memory_space<vmem>>, vector<128x512xf32>
    %mul3A_12 = vector.broadcast %rsqrt3A : vector<128x1xf32> to vector<128x512xf32>
    %mul3A_13 = arith.mulf %get3A_11, %mul3A_12 : vector<128x512xf32>
    %get3A_14 = arith.constant 0 : index
    %get3A_15 = arith.index_cast %mul3A_0 : i32 to index
    %get3A_16 = vector.load %arg2[%get3A_14, %get3A_15] : memref<1x2048xf32, #tpu.memory_space<vmem>>, vector<1x512xf32>
    %get3A_17 = vector.shape_cast %get3A_16 : vector<1x512xf32> to vector<512xf32>
    %add3A_18 = arith.constant 1.000000e+00 : f32
    %add3A_19 = vector.broadcast %add3A_18 : f32 to vector<512xf32>
    %add3A_20 = arith.addf %add3A_19, %get3A_17 : vector<512xf32>
    %broadcast_in_dim3A_21 = vector.shape_cast %add3A_20 : vector<512xf32> to vector<1x512xf32>
    %mul3A_22 = vector.broadcast %broadcast_in_dim3A_21 : vector<1x512xf32> to vector<128x512xf32>
    %mul3A_23 = arith.mulf %mul3A_13, %mul3A_22 : vector<128x512xf32>
    %get3A_24 = arith.constant 0 : index
    %get3A_25 = arith.constant 0 : index
    %get3A_26 = vector.load %arg3[%get3A_24, %get3A_25] : memref<2048x512xf32, #tpu.memory_space<vmem>>, vector<2048x512xf32>
    %dot_general3A = arith.constant dense<0.000000e+00> : vector<128x2048xf32>
    %dot_general3A_27 = tpu.matmul %mul3A_23, %get3A_26, %dot_general3A {dimension_numbers = #tpu.dot_dimension_numbers<[1], [1], [0], [0], [0, 0, 1, 0], [], []>, transpose_lhs_hint = false} : vector<128x512xf32>, vector<2048x512xf32>, vector<128x2048xf32> -> vector<128x2048xf32>
    %eq3A = arith.constant 0 : i32
    %eq3A_28 = arith.cmpi eq, %arg0, %eq3A : i32
    %convert_element_type3A = arith.extui %eq3A_28 : i1 to i32
    %cond3A = arith.constant 0 : i32
    %cond3A_29 = arith.cmpi ne, %convert_element_type3A, %cond3A : i32
    scf.if %cond3A_29 {
      %swap3A = arith.constant 0 : index
      %swap3A_39 = arith.constant 0 : index
      %swap3A_40 = vector.load %arg5[%swap3A, %swap3A_39] : memref<128x2048xf32, #tpu.memory_space<vmem>>, vector<128x2048xf32>
      tpu.vector_store %arg5[%swap3A, %swap3A_39], %dot_general3A_27 {strides = array<i32>} : memref<128x2048xf32, #tpu.memory_space<vmem>>, vector<128x2048xf32>,
    } else {
    }
    %gt3A = arith.constant 0 : i32
    %gt3A_30 = arith.cmpi sgt, %arg0, %gt3A : i32
    %convert_element_type3A_31 = arith.extui %gt3A_30 : i1 to i32
    %cond3A_32 = arith.constant 0 : i32
    %cond3A_33 = arith.cmpi ne, %convert_element_type3A_31, %cond3A_32 : i32
    scf.if %cond3A_33 {
      %get3A_39 = arith.constant 0 : index
      %get3A_40 = arith.constant 0 : index
      %get3A_41 = vector.load %arg5[%get3A_39, %get3A_40] : memref<128x2048xf32, #tpu.memory_space<vmem>>, vector<128x2048xf32>
      %add3A_42 = arith.addf %get3A_41, %dot_general3A_27 : vector<128x2048xf32>
      %swap3A = arith.constant 0 : index
      %swap3A_43 = arith.constant 0 : index
      %swap3A_44 = vector.load %arg5[%swap3A, %swap3A_43] : memref<128x2048xf32, #tpu.memory_space<vmem>>, vector<128x2048xf32>
      tpu.vector_store %arg5[%swap3A, %swap3A_43], %add3A_42 {strides = array<i32>} : memref<128x2048xf32, #tpu.memory_space<vmem>>, vector<128x2048xf32>,
    } else {
    }
    %eq3A_34 = arith.constant 3 : i32
    %eq3A_35 = arith.cmpi eq, %arg0, %eq3A_34 : i32
    %convert_element_type3A_36 = arith.extui %eq3A_35 : i1 to i32
    %cond3A_37 = arith.constant 0 : i32
    %cond3A_38 = arith.cmpi ne, %convert_element_type3A_36, %cond3A_37 : i32
    scf.if %cond3A_38 {
      %get3A_39 = arith.constant 0 : index
      %get3A_40 = arith.constant 0 : index
      %get3A_41 = vector.load %arg5[%get3A_39, %get3A_40] : memref<128x2048xf32, #tpu.memory_space<vmem>>, vector<128x2048xf32>
      %mul3A_42 = arith.mulf %get3A_41, %get3A_41 : vector<128x2048xf32>
      %reduce_sum3A_43 = arith.constant dense<0.000000e+00> : vector<128xf32>
      %reduce_sum3A_44 = vector.multi_reduction <add>, %mul3A_42, %reduce_sum3A_43 [1] : vector<128x2048xf32> to vector<128xf32>
      %broadcast_in_dim3A_45 = vector.shape_cast %reduce_sum3A_44 : vector<128xf32> to vector<128x1xf32>
      %div3A_46 = arith.constant 2.048000e+03 : f32
      %div3A_47 = vector.broadcast %div3A_46 : f32 to vector<128x1xf32>
      %div3A_48 = arith.divf %broadcast_in_dim3A_45, %div3A_47 : vector<128x1xf32>
      %add3A_49 = arith.constant 9.99999997E-7 : f32
      %add3A_50 = vector.broadcast %add3A_49 : f32 to vector<128x1xf32>
      %add3A_51 = arith.addf %div3A_48, %add3A_50 : vector<128x1xf32>
      %rsqrt3A_52 = math.rsqrt %add3A_51 : vector<128x1xf32>
      %mul3A_53 = vector.broadcast %rsqrt3A_52 : vector<128x1xf32> to vector<128x2048xf32>
      %mul3A_54 = arith.mulf %get3A_41, %mul3A_53 : vector<128x2048xf32>
      %swap3A = arith.constant 0 : index
      %swap3A_55 = arith.constant 0 : index
      %swap3A_56 = vector.load %arg4[%swap3A, %swap3A_55] : memref<128x2048xf32, #tpu.memory_space<vmem>>, vector<128x2048xf32>
      tpu.vector_store %arg4[%swap3A, %swap3A_55], %mul3A_54 {strides = array<i32>} : memref<128x2048xf32, #tpu.memory_space<vmem>>, vector<128x2048xf32>,
    } else {
    }
    return
  }
  func.func @transform_0(%arg0: i32) -> (i32, i32) {
    %c0_i32 = arith.constant 0 : i32
    %c0_i32_0 = arith.constant 0 : i32
    %c0_i32_1 = arith.constant 0 : i32
    return %c0_i32, %c0_i32_0 : i32, i32
  }
  func.func @transform_1(%arg0: i32) -> (i32, i32) {
    %c0_i32 = arith.constant 0 : i32
    %c0_i32_0 = arith.constant 0 : i32
    %c0_i32_1 = arith.constant 0 : i32
    return %c0_i32, %c0_i32_0 : i32, i32
  }
  func.func @transform_2(%arg0: i32) -> (i32, i32) {
    %c0_i32 = arith.constant 0 : i32
    %c0_i32_0 = arith.constant 0 : i32
    return %c0_i32, %arg0 : i32, i32
  }
  func.func @transform_3(%arg0: i32) -> (i32, i32) {
    %c0_i32 = arith.constant 0 : i32
    %c0_i32_0 = arith.constant 0 : i32
    %c0_i32_1 = arith.constant 0 : i32
    return %c0_i32, %c0_i32_0 : i32, i32
  }
}

module attributes {stable_mosaic.version = 14 : i64} {
  func.func @_merge_body(%arg0: i32, %arg1: memref<8192x2048xf32, #tpu.memory_space<any>>, %arg2: memref<512x2048xf32, #tpu.memory_space<vmem>>, %arg3: memref<512x2048xf32, #tpu.memory_space<vmem>>) attributes {dimension_semantics = [#tpu.dimension_semantics<arbitrary>], iteration_bounds = array<i64: 1>, scalar_prefetch = 0 : i64, scratch_operands = 0 : i64, tpu.core_type = #tpu.core_type<tc>, window_params = [{}, {transform_indices = @transform_1, window_bounds = array<i64: 512, 2048>}, {transform_indices = @transform_2, window_bounds = array<i64: 512, 2048>}]} {
    %get3A = arith.constant 0 : index
    %get3A_0 = arith.constant 0 : index
    %get3A_1 = vector.load %arg2[%get3A, %get3A_0] : memref<512x2048xf32, #tpu.memory_space<vmem>>, vector<512x2048xf32>
    %swap3A = arith.constant 0 : index
    %swap3A_2 = arith.constant 0 : index
    %swap3A_3 = vector.load %arg3[%swap3A, %swap3A_2] : memref<512x2048xf32, #tpu.memory_space<vmem>>, vector<512x2048xf32>
    tpu.vector_store %arg3[%swap3A, %swap3A_2], %get3A_1 {strides = array<i32>} : memref<512x2048xf32, #tpu.memory_space<vmem>>, vector<512x2048xf32>,
    return
  }
  func.func @transform_1(%arg0: i32) -> (i32, i32) {
    %c0_i32 = arith.constant 0 : i32
    %c0_i32_0 = arith.constant 0 : i32
    return %arg0, %c0_i32 : i32, i32
  }
  func.func @transform_2(%arg0: i32) -> (i32, i32) {
    %add3A = arith.constant 15 : i32
    %add3A_0 = arith.addi %add3A, %arg0 : i32
    %c0_i32 = arith.constant 0 : i32
    %c0_i32_1 = arith.constant 0 : i32
    return %add3A_0, %c0_i32 : i32, i32
  }
}

module attributes {stable_mosaic.version = 14 : i64} {
  func.func @_tc_gather_body(%arg0: i32, %arg1: memref<1x1x1920xi32, #tpu.memory_space<vmem>>, %arg2: memref<128x2048xf32, #tpu.memory_space<vmem>>, %arg3: memref<1920x2048xf32, #tpu.memory_space<vmem>>) attributes {dimension_semantics = [#tpu.dimension_semantics<arbitrary>], iteration_bounds = array<i64: 4>, scalar_prefetch = 0 : i64, scratch_operands = 0 : i64, tpu.core_type = #tpu.core_type<tc>, window_params = [{transform_indices = @transform_0, window_bounds = array<i64: 1, 1, 1920>}, {pipeline_mode = #tpu.pipeline_mode<synchronous>, transform_indices = @transform_1, window_bounds = array<i64: 128, 2048>}, {transform_indices = @transform_2, window_bounds = array<i64: 1920, 2048>}]} {
    %get3A = arith.constant 0 : index
    %get3A_0 = arith.constant 0 : index
    %get3A_1 = arith.constant 0 : index
    %get3A_2 = vector.load %arg1[%get3A, %get3A_0, %get3A_1] : memref<1x1x1920xi32, #tpu.memory_space<vmem>>, vector<1x1x1920xi32>
    %get3A_3 = vector.shape_cast %get3A_2 : vector<1x1x1920xi32> to vector<1x1920xi32>
    %reshape3A = vector.shape_cast %get3A_3 : vector<1x1920xi32> to vector<1920x1xi32>
    %iota3A = tpu.iota {dimensions = array<i32: 1>} : vector<1920x128xi32>
    %eq3A = vector.broadcast %reshape3A : vector<1920x1xi32> to vector<1920x128xi32>
    %eq3A_4 = arith.cmpi eq, %eq3A, %iota3A : vector<1920x128xi32>
    %convert_element_type3A = arith.extui %eq3A_4 : vector<1920x128xi1> to vector<1920x128xi32>
    %convert_element_type3A_5 = arith.sitofp %convert_element_type3A : vector<1920x128xi32> to vector<1920x128xf32>
    %get3A_6 = arith.constant 0 : index
    %get3A_7 = arith.constant 0 : index
    %get3A_8 = vector.load %arg2[%get3A_6, %get3A_7] : memref<128x2048xf32, #tpu.memory_space<vmem>>, vector<128x2048xf32>
    %dot_general3A = arith.constant dense<0.000000e+00> : vector<1920x2048xf32>
    %dot_general3A_9 = tpu.matmul %convert_element_type3A_5, %get3A_8, %dot_general3A {dimension_numbers = #tpu.dot_dimension_numbers<[1], [0], [0], [1], [0, 0, 1, 1], [], []>, transpose_lhs_hint = false} : vector<1920x128xf32>, vector<128x2048xf32>, vector<1920x2048xf32> -> vector<1920x2048xf32>
    %swap3A = arith.constant 0 : index
    %swap3A_10 = arith.constant 0 : index
    %swap3A_11 = vector.load %arg3[%swap3A, %swap3A_10] : memref<1920x2048xf32, #tpu.memory_space<vmem>>, vector<1920x2048xf32>
    tpu.vector_store %arg3[%swap3A, %swap3A_10], %dot_general3A_9 {strides = array<i32>} : memref<1920x2048xf32, #tpu.memory_space<vmem>>, vector<1920x2048xf32>,
    return
  }
  func.func @transform_0(%arg0: i32) -> (i32, i32, i32) {
    %c0_i32 = arith.constant 0 : i32
    %c0_i32_0 = arith.constant 0 : i32
    %c0_i32_1 = arith.constant 0 : i32
    return %arg0, %c0_i32, %c0_i32_0 : i32, i32, i32
  }
  func.func @transform_1(%arg0: i32) -> (i32, i32) {
    %c0_i32 = arith.constant 0 : i32
    %c0_i32_0 = arith.constant 0 : i32
    %c0_i32_1 = arith.constant 0 : i32
    return %c0_i32, %c0_i32_0 : i32, i32
  }
  func.func @transform_2(%arg0: i32) -> (i32, i32) {
    %c0_i32 = arith.constant 0 : i32
    %c0_i32_0 = arith.constant 0 : i32
    return %arg0, %c0_i32 : i32, i32
  }
}

</mosaic_0001>

<sc_bundles>
// kernel: kernel.6.cloned.1.call-start
scs
__scs_entry_jumppad:
0x0: {  	(pc) =	sbr.rel $0x88, $3  }
0x1: {  	(tag) =	ssettag $0x0;
	lr =	simm.s32 $0x1  }
0x2: {  	[smem:$0x3F9D] =	sst lr;
	_ =	strace $0xD0000000  }
0x3: {  	_ = 	snop  }
0x4: {  	_ = 	snop  }
0x5: {  	_ = 	snop  }
0x6: {  	_ = 	snop  }
0x7: {  	_ = 	snop  }
__scs_overlays_trampoline_lowered:
0x8: {  	[smem:$0x3FAC] =	sst s0  }
0x9: {  	[smem:$0x3FAD] =	sst s1  }
0xa: {  	[smem:$0x3FAE] =	sst s2  }
0xb: {  	[smem:$0x3FAF] =	sst s3  }
0xc: {  	[smem:$0x3FB0] =	sst s4  }
0xd: {  	[smem:$0x3FB1] =	sst s5  }
0xe: {  	[smem:$0x3FB2] =	sst s6  }
0xf: {  	[smem:$0x3FB3] =	sst s7  }
0x10: {  	[smem:$0x3FB4] =	sst s8  }
0x11: {  	[smem:$0x3FB5] =	sst s9;
	s0 =	simm.s32 @!p0 $0x0  }
0x12: {  	s1 =	sld [smem:$0x3F9B];
	s0 =	simm.s32 @p0 $0x1  }
0x13: {  	[smem:$0x3FB6] =	sst s0;
	s0 =	simm.s32 @!p1 $0x0  }
0x14: {  	s2 =	sld [smem:$0x3F9A];
	s0 =	simm.s32 @p1 $0x1  }
0x15: {  	[smem:$0x3FB7] =	sst s0;
	s0 =	simm.s32 @!p2 $0x0  }
0x16: {  	s3 =	sld [smem:$0x3FDB];
	s0 =	simm.s32 @p2 $0x1  }
0x17: {  	s4 =	simm.s32 $0x1BF5;
	[smem:$0x3FB9] =	sst s0  }
0x18: {  	s0 =	sld [smem:$0x3F9C];
	_ =	swait.ge [sflag:s4], $0x0  }
0x19: {  	s7 =	sld [smem:$0x3F9D]  }
0x1a: {  	s8 =	sadd.s32 $0xFFFFE003, lr  }
0x1b: {  	s9 =	sadd.s32 $0xFFFFFEF7, lr;
	s5 =	simm.s32 $0xFFFFFFFF;
	p2 =	slt.u32 s8, $0xFFFFF086  }
0x1c: {  	p1 =	slt.u32 s9, $0xF7A;
	s5 =	simm.s32 @!p2 $0x0  }
0x1d: {  	s5 =	simm.s32 @p1 $0x1;
	p0 =	seq.s32 s7, s2  }
0x1e: {  	s7 =	smul.u32 @!p0 $0xF7A, s2;
	p2 =	seq.s32 @!p0 s5, $0x0  }
0x1f: {  	s9 =	smul.u32 $0xF7A, s1;
	s8 =	simm.s32 @!p0 $0x1BF5;
	p2 =	por !p2, p0  }
0x20: {  	[sflag:s8] =	ssyncset.s32 @!p0 $0xFFFFF086;
	s6 =	sadd.s32 @!p0 s3, s7;
	s7 =	simm.s32 @!p0 $0x108  }
0x21: {  	s3 =	sadd.s32 s3, s9;
	s6 =	sadd.s32 @!p0 $0x88, s6;
	s7 =	simm.s32 @p2 $0x1082  }
0x22: {  	[simem:s7], [sflag:s8] =	dma.local @!p0 [hbm:s6], $0xF7A  }
0x23: {  	s9 =	sor.u32 $0xD0000000, s2;
	s6 =	simm.s32 $0x108;
	_ =	swait.ge @!p0 [sflag:s8], $0x0  }
0x24: {  	s3 =	sadd.s32 $0x88, s3;
	s6 =	simm.s32 @!p1 $0x1082;
	[sflag:s4] =	ssyncset.s32 $0xFFFFF086  }
0x25: {  	[simem:s6], [sflag:s4] =	dma.local [hbm:s3], $0xF7A  }
0x26: {  	[smem:$0x3F9D] =	sst s1;
	(tag) =	ssettag s2;
	_ =	strace s9  }
0x27: {  	s1 =	sld [smem:$0x3FAD]  }
0x28: {  	s2 =	sld [smem:$0x3FAE]  }
0x29: {  	s4 =	sld [smem:$0x3FB0]  }
0x2a: {  	p0 =	seq.s32 s5, $0x0;
	s5 =	sld [smem:$0x3FB1]  }
0x2b: {  	s6 =	sld [smem:$0x3FB2]  }
0x2c: {  	s7 =	sld [smem:$0x3FB3]  }
0x2d: {  	s3 =	simm.s32 $0x108;
	s8 =	sld [smem:$0x3FB4]  }
0x2e: {  	s3 =	simm.s32 @!p0 $0x1082;
	s9 =	sld [smem:$0x3FB5]  }
0x2f: {  	lr =	sadd.s32 s0, s3;
	s0 =	sld [smem:$0x3FAC]  }
0x30: {  	s3 =	sld [smem:$0x3FAF]  }
0x31: {  	[smem:$0x3FB8] =	sst s10  }
0x32: {  	s10 =	sld [smem:$0x3FB6];
	_ =	sdelay $0x3  }
0x33: {  	p0 =	seq.s32 s10, $0x1;
	s10 =	sld [smem:$0x3FB8];
	_ =	sdelay $0x3  }
0x34: {  	[smem:$0x3FB8] =	sst s10  }
0x35: {  	s10 =	sld [smem:$0x3FB7];
	_ =	sdelay $0x3  }
0x36: {  	p1 =	seq.s32 s10, $0x1;
	s10 =	sld [smem:$0x3FB8];
	_ =	sdelay $0x3  }
0x37: {  	[smem:$0x3FB8] =	sst s10  }
0x38: {  	s10 =	sld [smem:$0x3FB9]  }
0x39: {  	_ = 	snop;
	(pc) =	sbr.ind lr, $3  }
0x3a: {  	_ = 	snop  }
0x3b: {  	_ = 	snop  }
0x3c: {  	p2 =	seq.s32 s10, $0x1;
	s10 =	sld [smem:$0x3FB8]  }
0x3d: {  	_ =	shalt  }
0x3e: {  	_ =	shalt  }
0x3f: {  	_ =	shalt  }
0x40: {  	_ =	shalt  }
0x41: {  	_ =	shalt  }
0x42: {  	_ =	shalt  }
0x43: {  	_ =	shalt  }
0x44: {  	_ =	shalt  }
0x45: {  	_ =	shalt  }
0x46: {  	_ =	shalt  }
0x47: {  	_ =	shalt  }
0x48: {  	_ =	shalt  }
0x49: {  	_ =	shalt  }
0x4a: {  	_ =	shalt  }
0x4b: {  	_ =	shalt  }
0x4c: {  	_ =	shalt  }
0x4d: {  	_ =	shalt  }
0x4e: {  	_ =	shalt  }
0x4f: {  	_ =	shalt  }
0x50: {  	_ =	shalt  }
0x51: {  	_ =	shalt  }
0x52: {  	_ =	shalt  }
0x53: {  	_ =	shalt  }
0x54: {  	_ =	shalt  }
0x55: {  	_ =	shalt  }
0x56: {  	_ =	shalt  }
0x57: {  	_ =	shalt  }
0x58: {  	_ =	shalt  }
0x59: {  	_ =	shalt  }
0x5a: {  	_ =	shalt  }
0x5b: {  	_ =	shalt  }
0x5c: {  	_ =	shalt  }
0x5d: {  	_ =	shalt  }
0x5e: {  	_ =	shalt  }
0x5f: {  	_ =	shalt  }
0x60: {  	_ =	shalt  }
0x61: {  	_ =	shalt  }
0x62: {  	_ =	shalt  }
0x63: {  	_ =	shalt  }
0x64: {  	_ =	shalt  }
0x65: {  	_ =	shalt  }
0x66: {  	_ =	shalt  }
0x67: {  	_ =	shalt  }
0x68: {  	_ =	shalt  }
0x69: {  	_ =	shalt  }
0x6a: {  	_ =	shalt  }
0x6b: {  	_ =	shalt  }
0x6c: {  	_ =	shalt  }
0x6d: {  	_ =	shalt  }
0x6e: {  	_ =	shalt  }
0x6f: {  	_ =	shalt  }
0x70: {  	_ =	shalt  }
0x71: {  	_ =	shalt  }
0x72: {  	_ =	shalt  }
0x73: {  	_ =	shalt  }
0x74: {  	_ =	shalt  }
0x75: {  	_ =	shalt  }
0x76: {  	_ =	shalt  }
0x77: {  	_ =	shalt  }
0x78: {  	_ =	shalt  }
0x79: {  	_ =	shalt  }
0x7a: {  	_ =	shalt  }
0x7b: {  	_ =	shalt  }
0x7c: {  	_ =	shalt  }
0x7d: {  	_ =	shalt  }
0x7e: {  	_ =	shalt  }
0x7f: {  	_ =	shalt  }
0x80: {  	_ =	shalt  }
0x81: {  	_ =	shalt  }
0x82: {  	_ =	shalt  }
0x83: {  	_ =	shalt  }
0x84: {  	_ =	shalt  }
0x85: {  	_ =	shalt  }
0x86: {  	_ =	shalt  }
0x87: {  	_ =	shalt  }
.Lfunc_end0:
.L_simem_size_0:
called_computation_lowered:
.L_overlay_start_0:
0x88: {  	s2 =	sld [smem:$0x3FD9]  }
0x89: {  	s3 =	sld [smem:$0x3FFE];
	_ =	sdelay $0x1  }
0x8a: {  	s1 =	srdreg.scid  }
0x8b: {  	s0 =	sand.u32 $0x1, s1  }
0x8c: {  	s16 =	sshll.u32 s0, $0xA;
	s2 =	sadd.s32 s3, s2  }
0x8d: {  	s2 =	sadd.s32 s2, s16  }
0x8e: {  	[smem:$0x3FC4] =	sst s2  }
0x8f: {  	_ = 	snop  }
0x90: {  	(tm) =	ssettm $0x1  }
0x91: {  	s17 =	sld [smem:$0x3FFB];
	_ =	sdelay $0x3  }
0x92: {  	_ =	strace s17  }
0x93: {  	s2 =	sld [smem:$0x3FFC];
	_ =	sdelay $0x3  }
0x94: {  	_ =	strace s2  }
0x95: {  	s2 =	sld [smem:$0x3FFD];
	_ =	sdelay $0x3  }
0x96: {  	_ =	strace s2  }
0x97: {  	_ =	strace $0x8FFFFFFF  }
0x98: {  	s18 =	sld [smem:$0x3FDB];
	_ =	sdelay $0x1  }
0x99: {  	s19 =	simm.s32 $_scs_section_size  }
0x9a: {  	s4 =	simm.s32 $_size__tile_overlayer_lowered;
	s5 =	simm.s32 $_tile_overlayer_lowered  }
0x9b: {  	s22 =	simm.s32 $0x1BFF;
	s21 =	sshll.u32 s5, $0x1;
	s2 =	sadd.s32 s19, s18  }
0x9c: {  	s6 =	simm.s32 $0x0;
	s20 =	sshll.u32 s4, $0x1;
	s4 =	sadd.s32 s21, s2  }
0x9d: {  	[timem:s6], [sflag:s22] =	dma.local [hbm:s4], s20  }
0x9e: {  	_ =	swait.ge [sflag:s22], s20  }
0x9f: {  	s3 =	ssub.s32 $0x0, s20;
	[sflag:s22] =	ssyncset.done $0x0  }
0xa0: {  	[sflag:s22] =	ssyncadd.s32 s3;
	_ =	sdelay $0x1  }
0xa1: {  	s23 =	simm.s32 $0x1B8B  }
0xa2: {  	_ =	swait.ge [sflag:s23], $0x1  }
0xa3: {  	[sflag:s23] =	ssyncset.done $0x0  }
0xa4: {  	s25 =	simm.s32 $0x1B8E;
	s24 =	sld [smem:$0x3FFE];
	[sflag:s23] =	ssyncadd.s32 $0xFFFFFFFF  }
0xa5: {  	s26 =	simm.s32 $execute0_lowered;
	[smem:$0x3FD2] =	sst s25  }
0xa6: {  	s4 =	sshll.u32 s26, $0x1;
	_ =	strace $0x80000046;
	[dreg:$0x1] =	wrdreg $0xFFFFFFFF  }
0xa7: {  	s28 =	simm.s32 $_size_execute0_lowered;
	s2 =	sadd.s32 s2, s4;
	[dreg:$0x0] =	wrdreg $0x0  }
0xa8: {  	s4 =	sshll.u32 s28, $0x1;
	[dreg:$0x2] =	wrdreg s2  }
0xa9: {  	[dreg:$0x3] =	wrdreg s4  }
0xaa: {  	[dreg:$0x4] =	wrdreg $0xC0  }
0xab: {  	_ =	task [dreg:s6], $0x5FFFF  }
0xac: {  	[dreg:$0x1] =	wrdreg $0xFFFFFFFF  }
0xad: {  	[dreg:$0x0] =	wrdreg $0x60  }
0xae: {  	[dreg:$0x2] =	wrdreg s24  }
0xaf: {  	[dreg:$0x3] =	wrdreg $0x9  }
0xb0: {  	_ =	task.clear_ibuf [dreg:s6], $0x4FFFF;
	_ =	strace $0x90000046  }
0xb1: {  	s29 =	simm.s32 $0x9;
	_ =	strace $0x80000048  }
0xb2: {  	_ =	swait.ge [sflag:s29], $0x1  }
0xb3: {  	[sflag:s29] =	ssyncadd.s32 $0xFFFFFFFF  }
0xb4: {  	_ =	strace $0x90000048  }
0xb5: {  	_ =	sfence  }
0xb6: {  	s30 =	sld [smem:$0x0];
	_ =	sdelay $0x2  }
0xb7: {  	s31 =	sshll.u32 s1, $0xD;
	s1 =	sshrl.u32 s1, $0x2  }
0xb8: {  	s3 =	sand.u32 $0x4000, s31;
	s1 =	sadd.s32 s1, s30  }
0xb9: {  	s0 =	sor.u32 s3, s0;
	s1 =	sshll.u32 s1, $0x11  }
0xba: {  	s0 =	sor.u32 s1, s0  }
0xbb: {  	s0 =	sadd.s32 $0x8F2B, s0  }
0xbc: {  	[sflag:s0] =	ssyncadd.remote.s32 $0x1  }
0xbd: {  	_ =	sfence.sel $0xFFFF  }
0xbe: {  	[dreg:$0x0] =	wrdreg $0xFFFFFFFF;
	(pc) =	sbr.abs _section_cstart, $3  }
0xbf: {  	[dreg:$0x1] =	wrdreg $0xFFFFFFFF  }
0xc0: {  	_ =	task.clear_ibuf [dreg:s6], $0x2FFFF;
	_ =	strace $0x9FFFFFFF  }
0xc1: {  	(tm) =	ssettm $0x7FFFFFFF  }
tec
execute0_lowered:
.L_overlay_start_1:
0x0: {  	(tag) =	ssettag $0x1  }
0x1: {  	s0 =	rddreg [dreg:$0x0]  }
0x2: {  	s2 =	simm.s32 $0x0;
	s1 =	srdreg.scid;
	s3 =	stileid.u32  }
0x3: {  	s31 =	simm.s32 $0x3;
	s12 =	simm.s32 $0x80;
	s20 =	simm.s32 $0x880  }
0x4: {  	s21 =	simm.s32 $0x1080;
	s22 =	simm.s32 $0x1880;
	s23 =	simm.s32 $0x2080  }
0x5: {  	s19 =	simm.s32 $0x2880;
	s13 =	simm.s32 $0x3080;
	s14 =	simm.s32 $0x3880  }
0x6: {  	s15 =	simm.s32 $0x4080;
	s16 =	simm.s32 $0x4880;
	s17 =	simm.s32 $0x5080  }
0x7: {  	s18 =	simm.s32 $0x5880;
	p0 =	por $0x0, $0x0;
	s24 =	simm.s32 $0x6080  }
0x8: {  	s28 =	simm.s32 $0x7080;
	s1 =	sand.u32 $0x1, s1;
	s3 =	sshll.u32 s3, $0x1  }
0x9: {  	s29 =	simm.s32 $0x7880;
	s4 =	sor.u32 s1, s3;
	s1 =	ssub.s32 $0x2, s1  }
0xa: {  	s30 =	simm.s32 $0x1;
	s25 =	simm.s32 $0x2;
	s6 =	sshrl.u32 s1, $0x1  }
0xb: {  	[smem:$0x7FF] =	sst s2;
	s7 =	sadd.s32 $0x1500, s0;
	s1 =	ssub.s32 s1, s6  }
0xc: {  	s8 =	sadd.s32 $0x1600, s0;
	s9 =	sadd.s32 $0x1700, s0;
	s26 =	smax.u32 s1, $0x1  }
0xd: {  	s10 =	sadd.s32 $0x1800, s0;
	s11 =	sadd.s32 $0x1900, s0;
	p1 =	sne.s32 s26, $0x1  }
.Ltmp0:
0xe: {  	_ =	strace $0x80000047;
	s5 =	sshll.u32 s4, $0x4;
	(pc) =	sbr.rel @!p1 .LBB2_3-.Ltmp0, $4  }
0xf: {  	s3 =	sadd.s32 $0x1200, s0;
	s4 =	sshll.u32 s4, $0xC;
	s5 =	sadd.s32 s5, s0  }
0x10: {  	v2 =	vlaneseq.u32;
	s4 =	sadd.s32 s4, s0;
	s6 =	sadd.s32 $0x1400, s0;
	s5 =	sadd.s32 $0x1000, s5  }
0x11: {  	vm0 =	vmmov $0xffff;
	v0 =	vshrl.u32 v2, $0x3;
	s4 =	sadd.s32 $0x9200, s4;
	[dreg:$0x2] =	wrdreg s5;
	s5 =	sadd.s32 $0x1300, s0  }
0x12: {  	v1 =	vand.u32 $0x7, v2;
	v2 =	vor.u32 $0x8, v2;
	v0 =	vmul.u32 $0x8, v0;
	s0 =	sadd.s32 $0xFFFFFFFF, s26;
	s26 =	simm.s32 $0x6880;
	s1 =	rddreg [dreg:$0x2]  }
0x13: {  	[tilespmem:s2], [sflag:$0x3] =	stream.linear.gather [hbm4b:s1+s2], $0x80, $0x38;
	[tilespmem:$0x10080] =	vst v63  }
0x14: {  	_ =	swait.ge [sflag:s31], $0x80  }
0x15: {  	[sflag:s31] =	ssyncset.done $0x0  }
0x16: {  	[sflag:s31] =	ssyncadd.s32 $0xFFFFFF80  }
0x17: {  	v3 =	vld [tilespmem:$0x0];
	_ =	sdelay $0x4  }
0x18: {  	v4 =	vshll.u32 v3, $0x4  }
0x19: {  	v3 =	vand.u32 $0x7, v3;
	v4 =	vand.u32 $0xFFFFFF80, v4  }
0x1a: {  	v3 =	vor.u32 v3, v4  }
0x1b: {  	v4 =	vperm.xlane v3, v1;
	_ =	sdelay $0x1  }
0x1c: {  	v4 =	vadd.s32 v0, v4;
	_ =	sdelay $0x4  }
0x1d: {  	[tilespmem:s12], [sflag:$0x1] =	stream.indirect_vreg.gather [hbm4b:s3+s2], $0x80, v4, vm0, $0xb8;
	[tilespmem:$0x10080] =	vst v63  }
0x1e: {  	_ = 	snop  }
0x1f: {  	[tilespmem:s20], [sflag:$0x1] =	stream.indirect_vreg.gather [hbm4b:s5+s2], $0x80, v4, vm0, $0xb8;
	[tilespmem:$0x10080] =	vst v63  }
0x20: {  	_ = 	snop  }
0x21: {  	[tilespmem:s21], [sflag:$0x1] =	stream.indirect_vreg.gather [hbm4b:s6+s2], $0x80, v4, vm0, $0xb8;
	[tilespmem:$0x10080] =	vst v63  }
0x22: {  	_ = 	snop  }
0x23: {  	[tilespmem:s22], [sflag:$0x1] =	stream.indirect_vreg.gather [hbm4b:s7+s2], $0x80, v4, vm0, $0xb8;
	[tilespmem:$0x10080] =	vst v63  }
0x24: {  	_ = 	snop  }
0x25: {  	[tilespmem:s23], [sflag:$0x1] =	stream.indirect_vreg.gather [hbm4b:s8+s2], $0x80, v4, vm0, $0xb8;
	[tilespmem:$0x10080] =	vst v63  }
0x26: {  	v3 =	vperm.xlane v3, v2  }
0x27: {  	[tilespmem:s19], [sflag:$0x1] =	stream.indirect_vreg.gather [hbm4b:s9+s2], $0x80, v4, vm0, $0xb8;
	[tilespmem:$0x10080] =	vst v63  }
0x28: {  	v3 =	vadd.s32 v0, v3  }
0x29: {  	[tilespmem:s13], [sflag:$0x1] =	stream.indirect_vreg.gather [hbm4b:s10+s2], $0x80, v4, vm0, $0xb8;
	[tilespmem:$0x10080] =	vst v63  }
0x2a: {  	_ = 	snop  }
0x2b: {  	[tilespmem:s14], [sflag:$0x1] =	stream.indirect_vreg.gather [hbm4b:s11+s2], $0x80, v4, vm0, $0xb8;
	[tilespmem:$0x10080] =	vst v63  }
0x2c: {  	_ = 	snop  }
0x2d: {  	[tilespmem:s15], [sflag:$0x1] =	stream.indirect_vreg.gather [hbm4b:s3+s2], $0x80, v3, vm0, $0xb8;
	[tilespmem:$0x10080] =	vst v63  }
0x2e: {  	_ = 	snop  }
0x2f: {  	[tilespmem:s16], [sflag:$0x1] =	stream.indirect_vreg.gather [hbm4b:s5+s2], $0x80, v3, vm0, $0xb8;
	[tilespmem:$0x10080] =	vst v63  }
0x30: {  	_ = 	snop  }
0x31: {  	[tilespmem:s17], [sflag:$0x1] =	stream.indirect_vreg.gather [hbm4b:s6+s2], $0x80, v3, vm0, $0xb8;
	[tilespmem:$0x10080] =	vst v63  }
0x32: {  	_ = 	snop  }
0x33: {  	[tilespmem:s18], [sflag:$0x1] =	stream.indirect_vreg.gather [hbm4b:s7+s2], $0x80, v3, vm0, $0xb8;
	[tilespmem:$0x10080] =	vst v63  }
0x34: {  	_ = 	snop  }
0x35: {  	[tilespmem:s24], [sflag:$0x1] =	stream.indirect_vreg.gather [hbm4b:s8+s2], $0x80, v3, vm0, $0xb8;
	[tilespmem:$0x10080] =	vst v63  }
0x36: {  	_ = 	snop  }
0x37: {  	[tilespmem:s26], [sflag:$0x1] =	stream.indirect_vreg.gather [hbm4b:s9+s2], $0x80, v3, vm0, $0xb8;
	[tilespmem:$0x10080] =	vst v63  }
0x38: {  	_ = 	snop  }
0x39: {  	[tilespmem:s28], [sflag:$0x1] =	stream.indirect_vreg.gather [hbm4b:s10+s2], $0x80, v3, vm0, $0xb8;
	[tilespmem:$0x10080] =	vst v63  }
0x3a: {  	_ = 	snop  }
0x3b: {  	[tilespmem:s29], [sflag:$0x1] =	stream.indirect_vreg.gather [hbm4b:s11+s2], $0x80, v3, vm0, $0xb8;
	[tilespmem:$0x10080] =	vst v63  }
0x3c: {  	p1 =	sne.s32 s0, $0x1;
	_ =	swait.ge [sflag:s30], $0x8000  }
.Ltmp1:
0x3d: {  	[sflag:s30] =	ssyncset.done $0x0;
	(pc) =	sbr.rel @!p1 .LBB2_3-.Ltmp1, $4  }
0x3e: {  	[sflag:s30] =	ssyncadd.s32 $0xFFFF8000  }
0x3f: {  	[hbm4b:s4+s2] =	stream.linear.scatter [tilespmem:s12], [sflag:$0x2], $0x8000, $0x38;
	[tilespmem:$0x10080] =	vst v63  }
0x40: {  	s0 =	sadd.s32 $0xFFFFFFFF, s0;
	_ =	swait.ge [sflag:s25], $0x8000  }
0x41: {  	p0 =	por $0x1, $0x1;
	s1 =	rddreg [dreg:$0x2];
	[sflag:s25] =	ssyncset.done $0x0  }
.LBB2_2:
0x42: {  	[sflag:s25] =	ssyncadd.s32 $0xFFFF8000  }
0x43: {  	[tilespmem:s2], [sflag:$0x3] =	stream.linear.gather [hbm4b:s1+s2], $0x80, $0x38;
	[tilespmem:$0x10080] =	vst v63  }
0x44: {  	_ =	swait.ge [sflag:s31], $0x80  }
0x45: {  	[sflag:s31] =	ssyncset.done $0x0  }
0x46: {  	[sflag:s31] =	ssyncadd.s32 $0xFFFFFF80  }
0x47: {  	v3 =	vld [tilespmem:$0x0];
	_ =	sdelay $0x4  }
0x48: {  	v4 =	vshll.u32 v3, $0x4  }
0x49: {  	v3 =	vand.u32 $0x7, v3;
	v4 =	vand.u32 $0xFFFFFF80, v4  }
0x4a: {  	v3 =	vor.u32 v3, v4  }
0x4b: {  	v4 =	vperm.xlane v3, v1;
	_ =	sdelay $0x1  }
0x4c: {  	v4 =	vadd.s32 v0, v4;
	_ =	sdelay $0x4  }
0x4d: {  	[tilespmem:s12], [sflag:$0x1] =	stream.indirect_vreg.gather [hbm4b:s3+s2], $0x80, v4, vm0, $0xb8;
	[tilespmem:$0x10080] =	vst v63  }
0x4e: {  	_ = 	snop  }
0x4f: {  	[tilespmem:s20], [sflag:$0x1] =	stream.indirect_vreg.gather [hbm4b:s5+s2], $0x80, v4, vm0, $0xb8;
	[tilespmem:$0x10080] =	vst v63  }
0x50: {  	_ = 	snop  }
0x51: {  	[tilespmem:s21], [sflag:$0x1] =	stream.indirect_vreg.gather [hbm4b:s6+s2], $0x80, v4, vm0, $0xb8;
	[tilespmem:$0x10080] =	vst v63  }
0x52: {  	_ = 	snop  }
0x53: {  	[tilespmem:s22], [sflag:$0x1] =	stream.indirect_vreg.gather [hbm4b:s7+s2], $0x80, v4, vm0, $0xb8;
	[tilespmem:$0x10080] =	vst v63  }
0x54: {  	_ = 	snop  }
0x55: {  	[tilespmem:s23], [sflag:$0x1] =	stream.indirect_vreg.gather [hbm4b:s8+s2], $0x80, v4, vm0, $0xb8;
	[tilespmem:$0x10080] =	vst v63  }
0x56: {  	v3 =	vperm.xlane v3, v2  }
0x57: {  	[tilespmem:s19], [sflag:$0x1] =	stream.indirect_vreg.gather [hbm4b:s9+s2], $0x80, v4, vm0, $0xb8;
	[tilespmem:$0x10080] =	vst v63  }
0x58: {  	v3 =	vadd.s32 v0, v3  }
0x59: {  	[tilespmem:s13], [sflag:$0x1] =	stream.indirect_vreg.gather [hbm4b:s10+s2], $0x80, v4, vm0, $0xb8;
	[tilespmem:$0x10080] =	vst v63  }
0x5a: {  	_ = 	snop  }
0x5b: {  	[tilespmem:s14], [sflag:$0x1] =	stream.indirect_vreg.gather [hbm4b:s11+s2], $0x80, v4, vm0, $0xb8;
	[tilespmem:$0x10080] =	vst v63  }
0x5c: {  	_ = 	snop  }
0x5d: {  	[tilespmem:s15], [sflag:$0x1] =	stream.indirect_vreg.gather [hbm4b:s3+s2], $0x80, v3, vm0, $0xb8;
	[tilespmem:$0x10080] =	vst v63  }
0x5e: {  	_ = 	snop  }
0x5f: {  	[tilespmem:s16], [sflag:$0x1] =	stream.indirect_vreg.gather [hbm4b:s5+s2], $0x80, v3, vm0, $0xb8;
	[tilespmem:$0x10080] =	vst v63  }
0x60: {  	_ = 	snop  }
0x61: {  	[tilespmem:s17], [sflag:$0x1] =	stream.indirect_vreg.gather [hbm4b:s6+s2], $0x80, v3, vm0, $0xb8;
	[tilespmem:$0x10080] =	vst v63  }
0x62: {  	_ = 	snop  }
0x63: {  	[tilespmem:s18], [sflag:$0x1] =	stream.indirect_vreg.gather [hbm4b:s7+s2], $0x80, v3, vm0, $0xb8;
	[tilespmem:$0x10080] =	vst v63  }
0x64: {  	_ = 	snop  }
0x65: {  	[tilespmem:s24], [sflag:$0x1] =	stream.indirect_vreg.gather [hbm4b:s8+s2], $0x80, v3, vm0, $0xb8;
	[tilespmem:$0x10080] =	vst v63  }
0x66: {  	_ = 	snop  }
0x67: {  	[tilespmem:s26], [sflag:$0x1] =	stream.indirect_vreg.gather [hbm4b:s9+s2], $0x80, v3, vm0, $0xb8;
	[tilespmem:$0x10080] =	vst v63  }
0x68: {  	_ = 	snop  }
0x69: {  	[tilespmem:s28], [sflag:$0x1] =	stream.indirect_vreg.gather [hbm4b:s10+s2], $0x80, v3, vm0, $0xb8;
	[tilespmem:$0x10080] =	vst v63  }
0x6a: {  	_ = 	snop  }
0x6b: {  	[tilespmem:s29], [sflag:$0x1] =	stream.indirect_vreg.gather [hbm4b:s11+s2], $0x80, v3, vm0, $0xb8;
	[tilespmem:$0x10080] =	vst v63  }
0x6c: {  	p1 =	sne.s32 s0, $0x1;
	_ =	swait.ge [sflag:s30], $0x8000  }
.Ltmp2:
0x6d: {  	[sflag:s30] =	ssyncset.done $0x0;
	(pc) =	sbr.rel @p1 .LBB2_2-.Ltmp2, $4  }
0x6e: {  	[sflag:s30] =	ssyncadd.s32 $0xFFFF8000  }
0x6f: {  	[hbm4b:s4+s2] =	stream.linear.scatter [tilespmem:s12], [sflag:$0x2], $0x8000, $0x38;
	[tilespmem:$0x10080] =	vst v63  }
0x70: {  	_ =	swait.ge [sflag:s25], $0x8000  }
0x71: {  	s0 =	sadd.s32 $0xFFFFFFFF, s0;
	s1 =	rddreg [dreg:$0x2];
	[sflag:s25] =	ssyncset.done $0x0  }
.LBB2_3:
0x72: {  	[sflag:s25] =	ssyncadd.s32 @p0 $0xFFFF8000  }
0x73: {  	[tilespmem:s2], [sflag:$0x3] =	stream.linear.gather [hbm4b:s1+s2], $0x80, $0x38;
	[tilespmem:$0x10080] =	vst v63  }
0x74: {  	_ =	swait.ge [sflag:s31], $0x80  }
0x75: {  	[sflag:s31] =	ssyncset.done $0x0  }
0x76: {  	[sflag:s31] =	ssyncadd.s32 $0xFFFFFF80  }
0x77: {  	v3 =	vld [tilespmem:$0x0];
	_ =	sdelay $0x4  }
0x78: {  	v4 =	vshll.u32 v3, $0x4  }
0x79: {  	v3 =	vand.u32 $0x7, v3;
	v4 =	vand.u32 $0xFFFFFF80, v4  }
0x7a: {  	v3 =	vor.u32 v3, v4  }
0x7b: {  	v1 =	vperm.xlane v3, v1;
	_ =	sdelay $0x1  }
0x7c: {  	v1 =	vadd.s32 v0, v1;
	_ =	sdelay $0x4  }
0x7d: {  	[tilespmem:s12], [sflag:$0x1] =	stream.indirect_vreg.gather [hbm4b:s3+s2], $0x80, v1, vm0, $0xb8;
	[tilespmem:$0x10080] =	vst v63  }
0x7e: {  	_ = 	snop  }
0x7f: {  	[tilespmem:s20], [sflag:$0x1] =	stream.indirect_vreg.gather [hbm4b:s5+s2], $0x80, v1, vm0, $0xb8;
	[tilespmem:$0x10080] =	vst v63  }
0x80: {  	_ = 	snop  }
0x81: {  	[tilespmem:s21], [sflag:$0x1] =	stream.indirect_vreg.gather [hbm4b:s6+s2], $0x80, v1, vm0, $0xb8;
	[tilespmem:$0x10080] =	vst v63  }
0x82: {  	_ = 	snop  }
0x83: {  	[tilespmem:s22], [sflag:$0x1] =	stream.indirect_vreg.gather [hbm4b:s7+s2], $0x80, v1, vm0, $0xb8;
	[tilespmem:$0x10080] =	vst v63  }
0x84: {  	_ = 	snop  }
0x85: {  	[tilespmem:s23], [sflag:$0x1] =	stream.indirect_vreg.gather [hbm4b:s8+s2], $0x80, v1, vm0, $0xb8;
	[tilespmem:$0x10080] =	vst v63  }
0x86: {  	v2 =	vperm.xlane v3, v2  }
0x87: {  	[tilespmem:s19], [sflag:$0x1] =	stream.indirect_vreg.gather [hbm4b:s9+s2], $0x80, v1, vm0, $0xb8;
	[tilespmem:$0x10080] =	vst v63  }
0x88: {  	v63 =	vadd.s32 v0, v2  }
0x89: {  	[tilespmem:s13], [sflag:$0x1] =	stream.indirect_vreg.gather [hbm4b:s10+s2], $0x80, v1, vm0, $0xb8;
	[tilespmem:$0x10080] =	vst v63  }
0x8a: {  	_ = 	snop  }
0x8b: {  	[tilespmem:s14], [sflag:$0x1] =	stream.indirect_vreg.gather [hbm4b:s11+s2], $0x80, v1, vm0, $0xb8;
	[tilespmem:$0x10080] =	vst v63  }
0x8c: {  	_ = 	snop  }
0x8d: {  	[tilespmem:s15], [sflag:$0x1] =	stream.indirect_vreg.gather [hbm4b:s3+s2], $0x80, v63, vm0, $0xb8;
	[tilespmem:$0x10080] =	vst v63  }
0x8e: {  	_ = 	snop  }
0x8f: {  	[tilespmem:s16], [sflag:$0x1] =	stream.indirect_vreg.gather [hbm4b:s5+s2], $0x80, v63, vm0, $0xb8;
	[tilespmem:$0x10080] =	vst v63  }
0x90: {  	_ = 	snop  }
0x91: {  	[tilespmem:s17], [sflag:$0x1] =	stream.indirect_vreg.gather [hbm4b:s6+s2], $0x80, v63, vm0, $0xb8;
	[tilespmem:$0x10080] =	vst v63  }
0x92: {  	_ = 	snop  }
0x93: {  	[tilespmem:s18], [sflag:$0x1] =	stream.indirect_vreg.gather [hbm4b:s7+s2], $0x80, v63, vm0, $0xb8;
	[tilespmem:$0x10080] =	vst v63  }
0x94: {  	_ = 	snop  }
0x95: {  	[tilespmem:s24], [sflag:$0x1] =	stream.indirect_vreg.gather [hbm4b:s8+s2], $0x80, v63, vm0, $0xb8;
	[tilespmem:$0x10080] =	vst v63  }
0x96: {  	_ = 	snop  }
0x97: {  	[tilespmem:s26], [sflag:$0x1] =	stream.indirect_vreg.gather [hbm4b:s9+s2], $0x80, v63, vm0, $0xb8;
	[tilespmem:$0x10080] =	vst v63  }
0x98: {  	_ = 	snop  }
0x99: {  	[tilespmem:s28], [sflag:$0x1] =	stream.indirect_vreg.gather [hbm4b:s10+s2], $0x80, v63, vm0, $0xb8;
	[tilespmem:$0x10080] =	vst v63  }
0x9a: {  	_ = 	snop  }
0x9b: {  	[tilespmem:s29], [sflag:$0x1] =	stream.indirect_vreg.gather [hbm4b:s11+s2], $0x80, v63, vm0, $0xb8;
	[tilespmem:$0x10080] =	vst v63  }
0x9c: {  	_ =	swait.ge [sflag:s30], $0x8000  }
0x9d: {  	[sflag:s30] =	ssyncset.done $0x0  }
0x9e: {  	[sflag:s30] =	ssyncadd.s32 $0xFFFF8000  }
0x9f: {  	[hbm4b:s4+s2] =	stream.linear.scatter [tilespmem:s12], [sflag:$0x2], $0x8000, $0x38;
	[tilespmem:$0x10080] =	vst v63  }
0xa0: {  	_ =	swait.ge [sflag:s25], $0x8000  }
0xa1: {  	[sflag:s25] =	ssyncset.done $0x0  }
0xa2: {  	[sflag:s25] =	ssyncadd.s32 $0xFFFF8000  }
0xa3: {  	_ =	sfence.sel $0x180000  }
0xa4: {  	[bflag:$0x0] =	sbarrier.arrive $0xFFFF  }
0xa5: {  	_ =	strace $0x90000047  }
0xa6: {  	s0 =	stileid.u32;
	[bflag:$0x2] =	sbarrier.arrive $0xFFFF  }
0xa7: {  	p0 =	sne.s32 s0, $0x0;
	s0 =	rddreg [dreg:$0x1]  }
0xa8: {  	s0 =	sadd.s32 @!p0 $0x100000, s0  }
0xa9: {  	[sflag:s0] =	ssyncadd.tile.s32 @!p0 $0x1;
	_ =	shalt  }
.Lfunc_end2:
_tile_overlayer_lowered:
.L_overlay_start_2:
0xaa: {  	(tag) =	ssettag $0x2  }
0xab: {  	s0 =	rddreg [dreg:$0x0];
	s2 =	stileid.u32  }
0xac: {  	s1 =	rddreg [dreg:$0x1];
	p0 =	sne.s32 s2, $0x0  }
0xad: {  	s3 =	rddreg [dreg:$0x2];
	[bflag:$0x3] =	sbarrier.arrive $0xFFFF;
	s2 =	simm.s32 @!p0 $0x1C03  }
0xae: {  	[timem:s3], [sflag:s2] =	dma.local @!p0 [hbm:s0], s1  }
0xaf: {  	s0 =	simm.s32 @!p0 $0x3  }
0xb0: {  	_ =	swait.ge @!p0 [sflag:s0], s1  }
0xb1: {  	s1 =	ssub.s32 @!p0 $0x0, s1;
	[sflag:s0] =	ssyncset.done @!p0 $0x0  }
0xb2: {  	[sflag:s0] =	ssyncadd.s32 @!p0 s1  }
0xb3: {  	[bflag:$0x3] =	sbarrier.arrive $0xFFFF  }
0xb4: {  	_ =	shalt  }

</sc_bundles>
